<compile_context>
chip_gen: v7x
topology: tpu7x:2x2x1
jax: 0.10.2.dev20260603
libtpu: 0.0.44.dev20260713+nightly
codegen_flags: <defaults>
</compile_context>

<pallas_src>
import jax
import jax.numpy as jnp
from jax import lax
from jax.experimental import pallas as pl
from jax.experimental.pallas import tpu as pltpu
from jax.experimental.pallas import tpu_sc as plsc

NUM_FRAMES = 32
T = 300

CROWS = 112
CPP = 224 // CROWS
CPF = 3 * CPP
NBUF = 4

_info = plsc.get_sparse_core_info()
_NC, _NS = _info.num_cores, _info.num_subcores


def _clip_sampler_kernel(frames_hbm, out_hbm, *scratch):
    bufs = scratch[:NBUF]
    sins = scratch[NBUF:2 * NBUF]
    souts = scratch[2 * NBUF:]

    wid = lax.axis_index("s") * _NC + lax.axis_index("c")
    src = (wid * (T - 1)) // (NUM_FRAMES - 1)

    def in_copy(c):
        ch, r = c // CPP, (c % CPP) * CROWS
        return pltpu.make_async_copy(
            frames_hbm.at[src, ch, pl.ds(r, CROWS)], bufs[c % NBUF], sins[c % NBUF]
        )

    def out_copy(c):
        ch, r = c // CPP, (c % CPP) * CROWS
        return pltpu.make_async_copy(
            bufs[c % NBUF], out_hbm.at[wid, ch, pl.ds(r, CROWS)], souts[c % NBUF]
        )

    for c in range(min(NBUF, CPF)):
        in_copy(c).start()
    for c in range(CPF):
        in_copy(c).wait()
        out_copy(c).start()
        if c + NBUF < CPF:
            out_copy(c).wait()
            in_copy(c + NBUF).start()
    for c in range(max(0, CPF - NBUF), CPF):
        out_copy(c).wait()


@jax.jit
def kernel(frames):
    mesh = plsc.VectorSubcoreMesh(core_axis_name="c", subcore_axis_name="s")
    return pl.kernel(
        _clip_sampler_kernel,
        out_type=jax.ShapeDtypeStruct((NUM_FRAMES, 3, 224, 224), jnp.float32),
        mesh=mesh,
        scratch_types=(
            [pltpu.VMEM((CROWS, 224), jnp.float32)] * NBUF
            + [pltpu.SemaphoreType.DMA] * (2 * NBUF)
        ),
    )(frames)

# --- scband reference (transcript-rebuilt; emitter-appended) ---
"""Pipeline reference for scband-fixed-size-clip-sampler-39195871543398 (READ-ONLY COPY).

The authoritative reference and input builder live on the scoring server;
editing this copy changes nothing except your own understanding.
"""

import jax, jax.numpy as jnp
import numpy as np

NUM_FRAMES = 32

def setup_inputs(seed: int = 0) -> dict:
    key = jax.random.key(seed)
    frames = jax.random.normal(key, (300, 3, 224, 224), dtype=jnp.float32)
    return {"frames": frames}

def reference(frames):
    t = frames.shape[0]
    if t < NUM_FRAMES:
        pad_needed = NUM_FRAMES - t
        last_frame = frames[-1:]
        pad_frames = jnp.tile(last_frame, (pad_needed, 1, 1, 1))
        frames = jnp.concatenate([frames, pad_frames], axis=0)
    elif t > NUM_FRAMES:
        # torch.linspace(0, t-1, 32).long() truncates toward zero; values are >= 0
        indices = jnp.linspace(0.0, t - 1, NUM_FRAMES).astype(jnp.int32)
        frames = jnp.take(frames, indices, axis=0)
    return frames

if __name__ == "__main__":
    import jax
    _d = setup_inputs()
    print(jax.jit(kernel)(*tuple(_d.values())))

</pallas_src>

<mosaic_0001>
#map = affine_map<(d0, d1) -> (0, 0, 0, 0)>
module attributes {stable_mosaic.version = 14 : i64} {
  func.func @_clip_sampler_kernel(%arg0: i32, %arg1: i32, %arg2: memref<300x3x224x224xf32, #tpu.memory_space<hbm>>, %arg3: memref<32x3x224x224xf32, #tpu.memory_space<hbm>>, %arg4: memref<112x224xf32, #tpu.memory_space<vmem>>, %arg5: memref<112x224xf32, #tpu.memory_space<vmem>>, %arg6: memref<112x224xf32, #tpu.memory_space<vmem>>, %arg7: memref<112x224xf32, #tpu.memory_space<vmem>>, %arg8: memref<!tpu.dma_semaphore, #tpu.memory_space<semaphore_mem>>, %arg9: memref<!tpu.dma_semaphore, #tpu.memory_space<semaphore_mem>>, %arg10: memref<!tpu.dma_semaphore, #tpu.memory_space<semaphore_mem>>, %arg11: memref<!tpu.dma_semaphore, #tpu.memory_space<semaphore_mem>>, %arg12: memref<!tpu.dma_semaphore, #tpu.memory_space<semaphore_mem>>, %arg13: memref<!tpu.dma_semaphore, #tpu.memory_space<semaphore_mem>>, %arg14: memref<!tpu.dma_semaphore, #tpu.memory_space<semaphore_mem>>, %arg15: memref<!tpu.dma_semaphore, #tpu.memory_space<semaphore_mem>>) attributes {dimension_semantics = [#tpu.dimension_semantics<core_parallel>, #tpu.dimension_semantics<subcore_parallel>], iteration_bounds = array<i64: 2, 16>, scalar_prefetch = 0 : i64, scratch_operands = 12 : i64, tpu.core_type = #tpu.core_type<sc_vector_subcore>, window_params = [{transform_indices = #map}, {transform_indices = #map}]} {
    %mul3A = arith.constant 2 : i32
    %mul3A_0 = arith.muli %arg1, %mul3A : i32
    %add3A = arith.addi %mul3A_0, %arg0 : i32
    %mul3A_1 = arith.constant 299 : i32
    %mul3A_2 = arith.muli %add3A, %mul3A_1 : i32
    %jit3A = arith.constant 31 : i32
    %div3A = arith.divsi %mul3A_2, %jit3A : i32
    %sign3A = arith.constant 0 : i32
    %sign3A_3 = arith.cmpi sgt, %mul3A_2, %sign3A : i32
    %sign3A_4 = arith.extui %sign3A_3 : i1 to i32
    %sign3A_5 = arith.constant 0 : i32
    %sign3A_6 = arith.cmpi slt, %mul3A_2, %sign3A_5 : i32
    %sign3A_7 = arith.extui %sign3A_6 : i1 to i32
    %sign3A_8 = arith.subi %sign3A_4, %sign3A_7 : i32
    %sign3A_9 = arith.constant 0 : i32
    %sign3A_10 = arith.cmpi sgt, %jit3A, %sign3A_9 : i32
    %sign3A_11 = arith.extui %sign3A_10 : i1 to i32
    %sign3A_12 = arith.constant 0 : i32
    %sign3A_13 = arith.cmpi slt, %jit3A, %sign3A_12 : i32
    %sign3A_14 = arith.extui %sign3A_13 : i1 to i32
    %sign3A_15 = arith.subi %sign3A_11, %sign3A_14 : i32
    %ne3A = arith.cmpi ne, %sign3A_8, %sign3A_15 : i32
    %rem3A = arith.remsi %mul3A_2, %jit3A : i32
    %ne3A_16 = arith.constant 0 : i32
    %ne3A_17 = arith.cmpi ne, %rem3A, %ne3A_16 : i32
    %and3A = arith.andi %ne3A, %ne3A_17 : i1
    %sub3A = arith.constant 1 : i32
    %sub3A_18 = arith.subi %div3A, %sub3A : i32
    %select_n3A = arith.select %and3A, %sub3A_18, %div3A : i32
    %dma_start3A = arith.constant 0 : i32
    %dma_start3A_19 = arith.constant 0 : i32
    %dma_start3A_20 = arith.constant 0 : i32
    %dma_start3A_21 = tpu.memref_slice %arg2[%select_n3A, %dma_start3A, %dma_start3A_19, %dma_start3A_20] : memref<300x3x224x224xf32, #tpu.memory_space<hbm>> -> memref<1x1x112x224xf32, #tpu.memory_space<hbm>>
    %dma_start3A_22 = tpu.memref_squeeze %dma_start3A_21 : memref<1x1x112x224xf32, #tpu.memory_space<hbm>> -> memref<112x224xf32, #tpu.memory_space<hbm>>
    %dma_start3A_23 = arith.constant 0 : i32
    %dma_start3A_24 = arith.constant 0 : i32
    %dma_start3A_25 = tpu.memref_slice %arg2[%select_n3A, %dma_start3A, %dma_start3A_23, %dma_start3A_24] : memref<300x3x224x224xf32, #tpu.memory_space<hbm>> -> memref<1x1x112x224xf32, #tpu.memory_space<hbm>>
    %dma_start3A_26 = tpu.memref_squeeze %dma_start3A_25 : memref<1x1x112x224xf32, #tpu.memory_space<hbm>> -> memref<112x224xf32, #tpu.memory_space<hbm>>
    tpu.enqueue_dma source(%dma_start3A_26 : memref<112x224xf32, #tpu.memory_space<hbm>>) target(%arg4 : memref<112x224xf32, #tpu.memory_space<vmem>>) target_semaphore(%arg8 : memref<!tpu.dma_semaphore, #tpu.memory_space<semaphore_mem>>)
    %dma_start3A_27 = arith.constant 0 : i32
    %dma_start3A_28 = arith.constant 112 : i32
    %dma_start3A_29 = arith.constant 0 : i32
    %dma_start3A_30 = tpu.memref_slice %arg2[%select_n3A, %dma_start3A_27, %dma_start3A_28, %dma_start3A_29] : memref<300x3x224x224xf32, #tpu.memory_space<hbm>> -> memref<1x1x112x224xf32, #tpu.memory_space<hbm>>
    %dma_start3A_31 = tpu.memref_squeeze %dma_start3A_30 : memref<1x1x112x224xf32, #tpu.memory_space<hbm>> -> memref<112x224xf32, #tpu.memory_space<hbm>>
    %dma_start3A_32 = arith.constant 112 : i32
    %dma_start3A_33 = arith.constant 0 : i32
    %dma_start3A_34 = tpu.memref_slice %arg2[%select_n3A, %dma_start3A_27, %dma_start3A_32, %dma_start3A_33] : memref<300x3x224x224xf32, #tpu.memory_space<hbm>> -> memref<1x1x112x224xf32, #tpu.memory_space<hbm>>
    %dma_start3A_35 = tpu.memref_squeeze %dma_start3A_34 : memref<1x1x112x224xf32, #tpu.memory_space<hbm>> -> memref<112x224xf32, #tpu.memory_space<hbm>>
    tpu.enqueue_dma source(%dma_start3A_35 : memref<112x224xf32, #tpu.memory_space<hbm>>) target(%arg5 : memref<112x224xf32, #tpu.memory_space<vmem>>) target_semaphore(%arg9 : memref<!tpu.dma_semaphore, #tpu.memory_space<semaphore_mem>>)
    %dma_start3A_36 = arith.constant 1 : i32
    %dma_start3A_37 = arith.constant 0 : i32
    %dma_start3A_38 = arith.constant 0 : i32
    %dma_start3A_39 = tpu.memref_slice %arg2[%select_n3A, %dma_start3A_36, %dma_start3A_37, %dma_start3A_38] : memref<300x3x224x224xf32, #tpu.memory_space<hbm>> -> memref<1x1x112x224xf32, #tpu.memory_space<hbm>>
    %dma_start3A_40 = tpu.memref_squeeze %dma_start3A_39 : memref<1x1x112x224xf32, #tpu.memory_space<hbm>> -> memref<112x224xf32, #tpu.memory_space<hbm>>
    %dma_start3A_41 = arith.constant 0 : i32
    %dma_start3A_42 = arith.constant 0 : i32
    %dma_start3A_43 = tpu.memref_slice %arg2[%select_n3A, %dma_start3A_36, %dma_start3A_41, %dma_start3A_42] : memref<300x3x224x224xf32, #tpu.memory_space<hbm>> -> memref<1x1x112x224xf32, #tpu.memory_space<hbm>>
    %dma_start3A_44 = tpu.memref_squeeze %dma_start3A_43 : memref<1x1x112x224xf32, #tpu.memory_space<hbm>> -> memref<112x224xf32, #tpu.memory_space<hbm>>
    tpu.enqueue_dma source(%dma_start3A_44 : memref<112x224xf32, #tpu.memory_space<hbm>>) target(%arg6 : memref<112x224xf32, #tpu.memory_space<vmem>>) target_semaphore(%arg10 : memref<!tpu.dma_semaphore, #tpu.memory_space<semaphore_mem>>)
    %dma_start3A_45 = arith.constant 1 : i32
    %dma_start3A_46 = arith.constant 112 : i32
    %dma_start3A_47 = arith.constant 0 : i32
    %dma_start3A_48 = tpu.memref_slice %arg2[%select_n3A, %dma_start3A_45, %dma_start3A_46, %dma_start3A_47] : memref<300x3x224x224xf32, #tpu.memory_space<hbm>> -> memref<1x1x112x224xf32, #tpu.memory_space<hbm>>
    %dma_start3A_49 = tpu.memref_squeeze %dma_start3A_48 : memref<1x1x112x224xf32, #tpu.memory_space<hbm>> -> memref<112x224xf32, #tpu.memory_space<hbm>>
    %dma_start3A_50 = arith.constant 112 : i32
    %dma_start3A_51 = arith.constant 0 : i32
    %dma_start3A_52 = tpu.memref_slice %arg2[%select_n3A, %dma_start3A_45, %dma_start3A_50, %dma_start3A_51] : memref<300x3x224x224xf32, #tpu.memory_space<hbm>> -> memref<1x1x112x224xf32, #tpu.memory_space<hbm>>
    %dma_start3A_53 = tpu.memref_squeeze %dma_start3A_52 : memref<1x1x112x224xf32, #tpu.memory_space<hbm>> -> memref<112x224xf32, #tpu.memory_space<hbm>>
    tpu.enqueue_dma source(%dma_start3A_53 : memref<112x224xf32, #tpu.memory_space<hbm>>) target(%arg7 : memref<112x224xf32, #tpu.memory_space<vmem>>) target_semaphore(%arg11 : memref<!tpu.dma_semaphore, #tpu.memory_space<semaphore_mem>>)
    %dma_wait3A = arith.constant 0 : i32
    %dma_wait3A_54 = arith.constant 0 : i32
    %dma_wait3A_55 = arith.constant 0 : i32
    %dma_wait3A_56 = tpu.memref_slice %arg2[%select_n3A, %dma_wait3A, %dma_wait3A_54, %dma_wait3A_55] : memref<300x3x224x224xf32, #tpu.memory_space<hbm>> -> memref<1x1x112x224xf32, #tpu.memory_space<hbm>>
    %dma_wait3A_57 = tpu.memref_squeeze %dma_wait3A_56 : memref<1x1x112x224xf32, #tpu.memory_space<hbm>> -> memref<112x224xf32, #tpu.memory_space<hbm>>
    %dma_wait3A_58 = arith.constant 0 : i32
    %dma_wait3A_59 = arith.constant 0 : i32
    %dma_wait3A_60 = tpu.memref_slice %arg2[%select_n3A, %dma_wait3A, %dma_wait3A_58, %dma_wait3A_59] : memref<300x3x224x224xf32, #tpu.memory_space<hbm>> -> memref<1x1x112x224xf32, #tpu.memory_space<hbm>>
    %dma_wait3A_61 = tpu.memref_squeeze %dma_wait3A_60 : memref<1x1x112x224xf32, #tpu.memory_space<hbm>> -> memref<112x224xf32, #tpu.memory_space<hbm>>
    tpu.wait_dma2 semaphore(%arg8 : memref<!tpu.dma_semaphore, #tpu.memory_space<semaphore_mem>>) src(%dma_wait3A_61 : memref<112x224xf32, #tpu.memory_space<hbm>>) dst(%arg4 : memref<112x224xf32, #tpu.memory_space<vmem>>)
    %dma_start3A_62 = arith.constant 0 : i32
    %dma_start3A_63 = arith.constant 0 : i32
    %dma_start3A_64 = arith.constant 0 : i32
    %dma_start3A_65 = tpu.memref_slice %arg3[%add3A, %dma_start3A_62, %dma_start3A_63, %dma_start3A_64] : memref<32x3x224x224xf32, #tpu.memory_space<hbm>> -> memref<1x1x112x224xf32, #tpu.memory_space<hbm>>
    %dma_start3A_66 = tpu.memref_squeeze %dma_start3A_65 : memref<1x1x112x224xf32, #tpu.memory_space<hbm>> -> memref<112x224xf32, #tpu.memory_space<hbm>>
    %dma_start3A_67 = arith.constant 0 : i32
    %dma_start3A_68 = arith.constant 0 : i32
    %dma_start3A_69 = tpu.memref_slice %arg3[%add3A, %dma_start3A_62, %dma_start3A_67, %dma_start3A_68] : memref<32x3x224x224xf32, #tpu.memory_space<hbm>> -> memref<1x1x112x224xf32, #tpu.memory_space<hbm>>
    %dma_start3A_70 = tpu.memref_squeeze %dma_start3A_69 : memref<1x1x112x224xf32, #tpu.memory_space<hbm>> -> memref<112x224xf32, #tpu.memory_space<hbm>>
    tpu.enqueue_dma source(%arg4 : memref<112x224xf32, #tpu.memory_space<vmem>>) target(%dma_start3A_70 : memref<112x224xf32, #tpu.memory_space<hbm>>) target_semaphore(%arg12 : memref<!tpu.dma_semaphore, #tpu.memory_space<semaphore_mem>>)
    %dma_wait3A_71 = arith.constant 0 : i32
    %dma_wait3A_72 = arith.constant 0 : i32
    %dma_wait3A_73 = arith.constant 0 : i32
    %dma_wait3A_74 = tpu.memref_slice %arg3[%add3A, %dma_wait3A_71, %dma_wait3A_72, %dma_wait3A_73] : memref<32x3x224x224xf32, #tpu.memory_space<hbm>> -> memref<1x1x112x224xf32, #tpu.memory_space<hbm>>
    %dma_wait3A_75 = tpu.memref_squeeze %dma_wait3A_74 : memref<1x1x112x224xf32, #tpu.memory_space<hbm>> -> memref<112x224xf32, #tpu.memory_space<hbm>>
    %dma_wait3A_76 = arith.constant 0 : i32
    %dma_wait3A_77 = arith.constant 0 : i32
    %dma_wait3A_78 = tpu.memref_slice %arg3[%add3A, %dma_wait3A_71, %dma_wait3A_76, %dma_wait3A_77] : memref<32x3x224x224xf32, #tpu.memory_space<hbm>> -> memref<1x1x112x224xf32, #tpu.memory_space<hbm>>
    %dma_wait3A_79 = tpu.memref_squeeze %dma_wait3A_78 : memref<1x1x112x224xf32, #tpu.memory_space<hbm>> -> memref<112x224xf32, #tpu.memory_space<hbm>>
    tpu.wait_dma2 semaphore(%arg12 : memref<!tpu.dma_semaphore, #tpu.memory_space<semaphore_mem>>) src(%arg4 : memref<112x224xf32, #tpu.memory_space<vmem>>) dst(%dma_wait3A_79 : memref<112x224xf32, #tpu.memory_space<hbm>>)
    %dma_start3A_80 = arith.constant 2 : i32
    %dma_start3A_81 = arith.constant 0 : i32
    %dma_start3A_82 = arith.constant 0 : i32
    %dma_start3A_83 = tpu.memref_slice %arg2[%select_n3A, %dma_start3A_80, %dma_start3A_81, %dma_start3A_82] : memref<300x3x224x224xf32, #tpu.memory_space<hbm>> -> memref<1x1x112x224xf32, #tpu.memory_space<hbm>>
    %dma_start3A_84 = tpu.memref_squeeze %dma_start3A_83 : memref<1x1x112x224xf32, #tpu.memory_space<hbm>> -> memref<112x224xf32, #tpu.memory_space<hbm>>
    %dma_start3A_85 = arith.constant 0 : i32
    %dma_start3A_86 = arith.constant 0 : i32
    %dma_start3A_87 = tpu.memref_slice %arg2[%select_n3A, %dma_start3A_80, %dma_start3A_85, %dma_start3A_86] : memref<300x3x224x224xf32, #tpu.memory_space<hbm>> -> memref<1x1x112x224xf32, #tpu.memory_space<hbm>>
    %dma_start3A_88 = tpu.memref_squeeze %dma_start3A_87 : memref<1x1x112x224xf32, #tpu.memory_space<hbm>> -> memref<112x224xf32, #tpu.memory_space<hbm>>
    tpu.enqueue_dma source(%dma_start3A_88 : memref<112x224xf32, #tpu.memory_space<hbm>>) target(%arg4 : memref<112x224xf32, #tpu.memory_space<vmem>>) target_semaphore(%arg8 : memref<!tpu.dma_semaphore, #tpu.memory_space<semaphore_mem>>)
    %dma_wait3A_89 = arith.constant 0 : i32
    %dma_wait3A_90 = arith.constant 112 : i32
    %dma_wait3A_91 = arith.constant 0 : i32
    %dma_wait3A_92 = tpu.memref_slice %arg2[%select_n3A, %dma_wait3A_89, %dma_wait3A_90, %dma_wait3A_91] : memref<300x3x224x224xf32, #tpu.memory_space<hbm>> -> memref<1x1x112x224xf32, #tpu.memory_space<hbm>>
    %dma_wait3A_93 = tpu.memref_squeeze %dma_wait3A_92 : memref<1x1x112x224xf32, #tpu.memory_space<hbm>> -> memref<112x224xf32, #tpu.memory_space<hbm>>
    %dma_wait3A_94 = arith.constant 112 : i32
    %dma_wait3A_95 = arith.constant 0 : i32
    %dma_wait3A_96 = tpu.memref_slice %arg2[%select_n3A, %dma_wait3A_89, %dma_wait3A_94, %dma_wait3A_95] : memref<300x3x224x224xf32, #tpu.memory_space<hbm>> -> memref<1x1x112x224xf32, #tpu.memory_space<hbm>>
    %dma_wait3A_97 = tpu.memref_squeeze %dma_wait3A_96 : memref<1x1x112x224xf32, #tpu.memory_space<hbm>> -> memref<112x224xf32, #tpu.memory_space<hbm>>
    tpu.wait_dma2 semaphore(%arg9 : memref<!tpu.dma_semaphore, #tpu.memory_space<semaphore_mem>>) src(%dma_wait3A_97 : memref<112x224xf32, #tpu.memory_space<hbm>>) dst(%arg5 : memref<112x224xf32, #tpu.memory_space<vmem>>)
    %dma_start3A_98 = arith.constant 0 : i32
    %dma_start3A_99 = arith.constant 112 : i32
    %dma_start3A_100 = arith.constant 0 : i32
    %dma_start3A_101 = tpu.memref_slice %arg3[%add3A, %dma_start3A_98, %dma_start3A_99, %dma_start3A_100] : memref<32x3x224x224xf32, #tpu.memory_space<hbm>> -> memref<1x1x112x224xf32, #tpu.memory_space<hbm>>
    %dma_start3A_102 = tpu.memref_squeeze %dma_start3A_101 : memref<1x1x112x224xf32, #tpu.memory_space<hbm>> -> memref<112x224xf32, #tpu.memory_space<hbm>>
    %dma_start3A_103 = arith.constant 112 : i32
    %dma_start3A_104 = arith.constant 0 : i32
    %dma_start3A_105 = tpu.memref_slice %arg3[%add3A, %dma_start3A_98, %dma_start3A_103, %dma_start3A_104] : memref<32x3x224x224xf32, #tpu.memory_space<hbm>> -> memref<1x1x112x224xf32, #tpu.memory_space<hbm>>
    %dma_start3A_106 = tpu.memref_squeeze %dma_start3A_105 : memref<1x1x112x224xf32, #tpu.memory_space<hbm>> -> memref<112x224xf32, #tpu.memory_space<hbm>>
    tpu.enqueue_dma source(%arg5 : memref<112x224xf32, #tpu.memory_space<vmem>>) target(%dma_start3A_106 : memref<112x224xf32, #tpu.memory_space<hbm>>) target_semaphore(%arg13 : memref<!tpu.dma_semaphore, #tpu.memory_space<semaphore_mem>>)
    %dma_wait3A_107 = arith.constant 0 : i32
    %dma_wait3A_108 = arith.constant 112 : i32
    %dma_wait3A_109 = arith.constant 0 : i32
    %dma_wait3A_110 = tpu.memref_slice %arg3[%add3A, %dma_wait3A_107, %dma_wait3A_108, %dma_wait3A_109] : memref<32x3x224x224xf32, #tpu.memory_space<hbm>> -> memref<1x1x112x224xf32, #tpu.memory_space<hbm>>
    %dma_wait3A_111 = tpu.memref_squeeze %dma_wait3A_110 : memref<1x1x112x224xf32, #tpu.memory_space<hbm>> -> memref<112x224xf32, #tpu.memory_space<hbm>>
    %dma_wait3A_112 = arith.constant 112 : i32
    %dma_wait3A_113 = arith.constant 0 : i32
    %dma_wait3A_114 = tpu.memref_slice %arg3[%add3A, %dma_wait3A_107, %dma_wait3A_112, %dma_wait3A_113] : memref<32x3x224x224xf32, #tpu.memory_space<hbm>> -> memref<1x1x112x224xf32, #tpu.memory_space<hbm>>
    %dma_wait3A_115 = tpu.memref_squeeze %dma_wait3A_114 : memref<1x1x112x224xf32, #tpu.memory_space<hbm>> -> memref<112x224xf32, #tpu.memory_space<hbm>>
    tpu.wait_dma2 semaphore(%arg13 : memref<!tpu.dma_semaphore, #tpu.memory_space<semaphore_mem>>) src(%arg5 : memref<112x224xf32, #tpu.memory_space<vmem>>) dst(%dma_wait3A_115 : memref<112x224xf32, #tpu.memory_space<hbm>>)
    %dma_start3A_116 = arith.constant 2 : i32
    %dma_start3A_117 = arith.constant 112 : i32
    %dma_start3A_118 = arith.constant 0 : i32
    %dma_start3A_119 = tpu.memref_slice %arg2[%select_n3A, %dma_start3A_116, %dma_start3A_117, %dma_start3A_118] : memref<300x3x224x224xf32, #tpu.memory_space<hbm>> -> memref<1x1x112x224xf32, #tpu.memory_space<hbm>>
    %dma_start3A_120 = tpu.memref_squeeze %dma_start3A_119 : memref<1x1x112x224xf32, #tpu.memory_space<hbm>> -> memref<112x224xf32, #tpu.memory_space<hbm>>
    %dma_start3A_121 = arith.constant 112 : i32
    %dma_start3A_122 = arith.constant 0 : i32
    %dma_start3A_123 = tpu.memref_slice %arg2[%select_n3A, %dma_start3A_116, %dma_start3A_121, %dma_start3A_122] : memref<300x3x224x224xf32, #tpu.memory_space<hbm>> -> memref<1x1x112x224xf32, #tpu.memory_space<hbm>>
    %dma_start3A_124 = tpu.memref_squeeze %dma_start3A_123 : memref<1x1x112x224xf32, #tpu.memory_space<hbm>> -> memref<112x224xf32, #tpu.memory_space<hbm>>
    tpu.enqueue_dma source(%dma_start3A_124 : memref<112x224xf32, #tpu.memory_space<hbm>>) target(%arg5 : memref<112x224xf32, #tpu.memory_space<vmem>>) target_semaphore(%arg9 : memref<!tpu.dma_semaphore, #tpu.memory_space<semaphore_mem>>)
    %dma_wait3A_125 = arith.constant 1 : i32
    %dma_wait3A_126 = arith.constant 0 : i32
    %dma_wait3A_127 = arith.constant 0 : i32
    %dma_wait3A_128 = tpu.memref_slice %arg2[%select_n3A, %dma_wait3A_125, %dma_wait3A_126, %dma_wait3A_127] : memref<300x3x224x224xf32, #tpu.memory_space<hbm>> -> memref<1x1x112x224xf32, #tpu.memory_space<hbm>>
    %dma_wait3A_129 = tpu.memref_squeeze %dma_wait3A_128 : memref<1x1x112x224xf32, #tpu.memory_space<hbm>> -> memref<112x224xf32, #tpu.memory_space<hbm>>
    %dma_wait3A_130 = arith.constant 0 : i32
    %dma_wait3A_131 = arith.constant 0 : i32
    %dma_wait3A_132 = tpu.memref_slice %arg2[%select_n3A, %dma_wait3A_125, %dma_wait3A_130, %dma_wait3A_131] : memref<300x3x224x224xf32, #tpu.memory_space<hbm>> -> memref<1x1x112x224xf32, #tpu.memory_space<hbm>>
    %dma_wait3A_133 = tpu.memref_squeeze %dma_wait3A_132 : memref<1x1x112x224xf32, #tpu.memory_space<hbm>> -> memref<112x224xf32, #tpu.memory_space<hbm>>
    tpu.wait_dma2 semaphore(%arg10 : memref<!tpu.dma_semaphore, #tpu.memory_space<semaphore_mem>>) src(%dma_wait3A_133 : memref<112x224xf32, #tpu.memory_space<hbm>>) dst(%arg6 : memref<112x224xf32, #tpu.memory_space<vmem>>)
    %dma_start3A_134 = arith.constant 1 : i32
    %dma_start3A_135 = arith.constant 0 : i32
    %dma_start3A_136 = arith.constant 0 : i32
    %dma_start3A_137 = tpu.memref_slice %arg3[%add3A, %dma_start3A_134, %dma_start3A_135, %dma_start3A_136] : memref<32x3x224x224xf32, #tpu.memory_space<hbm>> -> memref<1x1x112x224xf32, #tpu.memory_space<hbm>>
    %dma_start3A_138 = tpu.memref_squeeze %dma_start3A_137 : memref<1x1x112x224xf32, #tpu.memory_space<hbm>> -> memref<112x224xf32, #tpu.memory_space<hbm>>
    %dma_start3A_139 = arith.constant 0 : i32
    %dma_start3A_140 = arith.constant 0 : i32
    %dma_start3A_141 = tpu.memref_slice %arg3[%add3A, %dma_start3A_134, %dma_start3A_139, %dma_start3A_140] : memref<32x3x224x224xf32, #tpu.memory_space<hbm>> -> memref<1x1x112x224xf32, #tpu.memory_space<hbm>>
    %dma_start3A_142 = tpu.memref_squeeze %dma_start3A_141 : memref<1x1x112x224xf32, #tpu.memory_space<hbm>> -> memref<112x224xf32, #tpu.memory_space<hbm>>
    tpu.enqueue_dma source(%arg6 : memref<112x224xf32, #tpu.memory_space<vmem>>) target(%dma_start3A_142 : memref<112x224xf32, #tpu.memory_space<hbm>>) target_semaphore(%arg14 : memref<!tpu.dma_semaphore, #tpu.memory_space<semaphore_mem>>)
    %dma_wait3A_143 = arith.constant 1 : i32
    %dma_wait3A_144 = arith.constant 112 : i32
    %dma_wait3A_145 = arith.constant 0 : i32
    %dma_wait3A_146 = tpu.memref_slice %arg2[%select_n3A, %dma_wait3A_143, %dma_wait3A_144, %dma_wait3A_145] : memref<300x3x224x224xf32, #tpu.memory_space<hbm>> -> memref<1x1x112x224xf32, #tpu.memory_space<hbm>>
    %dma_wait3A_147 = tpu.memref_squeeze %dma_wait3A_146 : memref<1x1x112x224xf32, #tpu.memory_space<hbm>> -> memref<112x224xf32, #tpu.memory_space<hbm>>
    %dma_wait3A_148 = arith.constant 112 : i32
    %dma_wait3A_149 = arith.constant 0 : i32
    %dma_wait3A_150 = tpu.memref_slice %arg2[%select_n3A, %dma_wait3A_143, %dma_wait3A_148, %dma_wait3A_149] : memref<300x3x224x224xf32, #tpu.memory_space<hbm>> -> memref<1x1x112x224xf32, #tpu.memory_space<hbm>>
    %dma_wait3A_151 = tpu.memref_squeeze %dma_wait3A_150 : memref<1x1x112x224xf32, #tpu.memory_space<hbm>> -> memref<112x224xf32, #tpu.memory_space<hbm>>
    tpu.wait_dma2 semaphore(%arg11 : memref<!tpu.dma_semaphore, #tpu.memory_space<semaphore_mem>>) src(%dma_wait3A_151 : memref<112x224xf32, #tpu.memory_space<hbm>>) dst(%arg7 : memref<112x224xf32, #tpu.memory_space<vmem>>)
    %dma_start3A_152 = arith.constant 1 : i32
    %dma_start3A_153 = arith.constant 112 : i32
    %dma_start3A_154 = arith.constant 0 : i32
    %dma_start3A_155 = tpu.memref_slice %arg3[%add3A, %dma_start3A_152, %dma_start3A_153, %dma_start3A_154] : memref<32x3x224x224xf32, #tpu.memory_space<hbm>> -> memref<1x1x112x224xf32, #tpu.memory_space<hbm>>
    %dma_start3A_156 = tpu.memref_squeeze %dma_start3A_155 : memref<1x1x112x224xf32, #tpu.memory_space<hbm>> -> memref<112x224xf32, #tpu.memory_space<hbm>>
    %dma_start3A_157 = arith.constant 112 : i32
    %dma_start3A_158 = arith.constant 0 : i32
    %dma_start3A_159 = tpu.memref_slice %arg3[%add3A, %dma_start3A_152, %dma_start3A_157, %dma_start3A_158] : memref<32x3x224x224xf32, #tpu.memory_space<hbm>> -> memref<1x1x112x224xf32, #tpu.memory_space<hbm>>
    %dma_start3A_160 = tpu.memref_squeeze %dma_start3A_159 : memref<1x1x112x224xf32, #tpu.memory_space<hbm>> -> memref<112x224xf32, #tpu.memory_space<hbm>>
    tpu.enqueue_dma source(%arg7 : memref<112x224xf32, #tpu.memory_space<vmem>>) target(%dma_start3A_160 : memref<112x224xf32, #tpu.memory_space<hbm>>) target_semaphore(%arg15 : memref<!tpu.dma_semaphore, #tpu.memory_space<semaphore_mem>>)
    %dma_wait3A_161 = arith.constant 2 : i32
    %dma_wait3A_162 = arith.constant 0 : i32
    %dma_wait3A_163 = arith.constant 0 : i32
    %dma_wait3A_164 = tpu.memref_slice %arg2[%select_n3A, %dma_wait3A_161, %dma_wait3A_162, %dma_wait3A_163] : memref<300x3x224x224xf32, #tpu.memory_space<hbm>> -> memref<1x1x112x224xf32, #tpu.memory_space<hbm>>
    %dma_wait3A_165 = tpu.memref_squeeze %dma_wait3A_164 : memref<1x1x112x224xf32, #tpu.memory_space<hbm>> -> memref<112x224xf32, #tpu.memory_space<hbm>>
    %dma_wait3A_166 = arith.constant 0 : i32
    %dma_wait3A_167 = arith.constant 0 : i32
    %dma_wait3A_168 = tpu.memref_slice %arg2[%select_n3A, %dma_wait3A_161, %dma_wait3A_166, %dma_wait3A_167] : memref<300x3x224x224xf32, #tpu.memory_space<hbm>> -> memref<1x1x112x224xf32, #tpu.memory_space<hbm>>
    %dma_wait3A_169 = tpu.memref_squeeze %dma_wait3A_168 : memref<1x1x112x224xf32, #tpu.memory_space<hbm>> -> memref<112x224xf32, #tpu.memory_space<hbm>>
    tpu.wait_dma2 semaphore(%arg8 : memref<!tpu.dma_semaphore, #tpu.memory_space<semaphore_mem>>) src(%dma_wait3A_169 : memref<112x224xf32, #tpu.memory_space<hbm>>) dst(%arg4 : memref<112x224xf32, #tpu.memory_space<vmem>>)
    %dma_start3A_170 = arith.constant 2 : i32
    %dma_start3A_171 = arith.constant 0 : i32
    %dma_start3A_172 = arith.constant 0 : i32
    %dma_start3A_173 = tpu.memref_slice %arg3[%add3A, %dma_start3A_170, %dma_start3A_171, %dma_start3A_172] : memref<32x3x224x224xf32, #tpu.memory_space<hbm>> -> memref<1x1x112x224xf32, #tpu.memory_space<hbm>>
    %dma_start3A_174 = tpu.memref_squeeze %dma_start3A_173 : memref<1x1x112x224xf32, #tpu.memory_space<hbm>> -> memref<112x224xf32, #tpu.memory_space<hbm>>
    %dma_start3A_175 = arith.constant 0 : i32
    %dma_start3A_176 = arith.constant 0 : i32
    %dma_start3A_177 = tpu.memref_slice %arg3[%add3A, %dma_start3A_170, %dma_start3A_175, %dma_start3A_176] : memref<32x3x224x224xf32, #tpu.memory_space<hbm>> -> memref<1x1x112x224xf32, #tpu.memory_space<hbm>>
    %dma_start3A_178 = tpu.memref_squeeze %dma_start3A_177 : memref<1x1x112x224xf32, #tpu.memory_space<hbm>> -> memref<112x224xf32, #tpu.memory_space<hbm>>
    tpu.enqueue_dma source(%arg4 : memref<112x224xf32, #tpu.memory_space<vmem>>) target(%dma_start3A_178 : memref<112x224xf32, #tpu.memory_space<hbm>>) target_semaphore(%arg12 : memref<!tpu.dma_semaphore, #tpu.memory_space<semaphore_mem>>)
    %dma_wait3A_179 = arith.constant 2 : i32
    %dma_wait3A_180 = arith.constant 112 : i32
    %dma_wait3A_181 = arith.constant 0 : i32
    %dma_wait3A_182 = tpu.memref_slice %arg2[%select_n3A, %dma_wait3A_179, %dma_wait3A_180, %dma_wait3A_181] : memref<300x3x224x224xf32, #tpu.memory_space<hbm>> -> memref<1x1x112x224xf32, #tpu.memory_space<hbm>>
    %dma_wait3A_183 = tpu.memref_squeeze %dma_wait3A_182 : memref<1x1x112x224xf32, #tpu.memory_space<hbm>> -> memref<112x224xf32, #tpu.memory_space<hbm>>
    %dma_wait3A_184 = arith.constant 112 : i32
    %dma_wait3A_185 = arith.constant 0 : i32
    %dma_wait3A_186 = tpu.memref_slice %arg2[%select_n3A, %dma_wait3A_179, %dma_wait3A_184, %dma_wait3A_185] : memref<300x3x224x224xf32, #tpu.memory_space<hbm>> -> memref<1x1x112x224xf32, #tpu.memory_space<hbm>>
    %dma_wait3A_187 = tpu.memref_squeeze %dma_wait3A_186 : memref<1x1x112x224xf32, #tpu.memory_space<hbm>> -> memref<112x224xf32, #tpu.memory_space<hbm>>
    tpu.wait_dma2 semaphore(%arg9 : memref<!tpu.dma_semaphore, #tpu.memory_space<semaphore_mem>>) src(%dma_wait3A_187 : memref<112x224xf32, #tpu.memory_space<hbm>>) dst(%arg5 : memref<112x224xf32, #tpu.memory_space<vmem>>)
    %dma_start3A_188 = arith.constant 2 : i32
    %dma_start3A_189 = arith.constant 112 : i32
    %dma_start3A_190 = arith.constant 0 : i32
    %dma_start3A_191 = tpu.memref_slice %arg3[%add3A, %dma_start3A_188, %dma_start3A_189, %dma_start3A_190] : memref<32x3x224x224xf32, #tpu.memory_space<hbm>> -> memref<1x1x112x224xf32, #tpu.memory_space<hbm>>
    %dma_start3A_192 = tpu.memref_squeeze %dma_start3A_191 : memref<1x1x112x224xf32, #tpu.memory_space<hbm>> -> memref<112x224xf32, #tpu.memory_space<hbm>>
    %dma_start3A_193 = arith.constant 112 : i32
    %dma_start3A_194 = arith.constant 0 : i32
    %dma_start3A_195 = tpu.memref_slice %arg3[%add3A, %dma_start3A_188, %dma_start3A_193, %dma_start3A_194] : memref<32x3x224x224xf32, #tpu.memory_space<hbm>> -> memref<1x1x112x224xf32, #tpu.memory_space<hbm>>
    %dma_start3A_196 = tpu.memref_squeeze %dma_start3A_195 : memref<1x1x112x224xf32, #tpu.memory_space<hbm>> -> memref<112x224xf32, #tpu.memory_space<hbm>>
    tpu.enqueue_dma source(%arg5 : memref<112x224xf32, #tpu.memory_space<vmem>>) target(%dma_start3A_196 : memref<112x224xf32, #tpu.memory_space<hbm>>) target_semaphore(%arg13 : memref<!tpu.dma_semaphore, #tpu.memory_space<semaphore_mem>>)
    %dma_wait3A_197 = arith.constant 1 : i32
    %dma_wait3A_198 = arith.constant 0 : i32
    %dma_wait3A_199 = arith.constant 0 : i32
    %dma_wait3A_200 = tpu.memref_slice %arg3[%add3A, %dma_wait3A_197, %dma_wait3A_198, %dma_wait3A_199] : memref<32x3x224x224xf32, #tpu.memory_space<hbm>> -> memref<1x1x112x224xf32, #tpu.memory_space<hbm>>
    %dma_wait3A_201 = tpu.memref_squeeze %dma_wait3A_200 : memref<1x1x112x224xf32, #tpu.memory_space<hbm>> -> memref<112x224xf32, #tpu.memory_space<hbm>>
    %dma_wait3A_202 = arith.constant 0 : i32
    %dma_wait3A_203 = arith.constant 0 : i32
    %dma_wait3A_204 = tpu.memref_slice %arg3[%add3A, %dma_wait3A_197, %dma_wait3A_202, %dma_wait3A_203] : memref<32x3x224x224xf32, #tpu.memory_space<hbm>> -> memref<1x1x112x224xf32, #tpu.memory_space<hbm>>
    %dma_wait3A_205 = tpu.memref_squeeze %dma_wait3A_204 : memref<1x1x112x224xf32, #tpu.memory_space<hbm>> -> memref<112x224xf32, #tpu.memory_space<hbm>>
    tpu.wait_dma2 semaphore(%arg14 : memref<!tpu.dma_semaphore, #tpu.memory_space<semaphore_mem>>) src(%arg6 : memref<112x224xf32, #tpu.memory_space<vmem>>) dst(%dma_wait3A_205 : memref<112x224xf32, #tpu.memory_space<hbm>>)
    %dma_wait3A_206 = arith.constant 1 : i32
    %dma_wait3A_207 = arith.constant 112 : i32
    %dma_wait3A_208 = arith.constant 0 : i32
    %dma_wait3A_209 = tpu.memref_slice %arg3[%add3A, %dma_wait3A_206, %dma_wait3A_207, %dma_wait3A_208] : memref<32x3x224x224xf32, #tpu.memory_space<hbm>> -> memref<1x1x112x224xf32, #tpu.memory_space<hbm>>
    %dma_wait3A_210 = tpu.memref_squeeze %dma_wait3A_209 : memref<1x1x112x224xf32, #tpu.memory_space<hbm>> -> memref<112x224xf32, #tpu.memory_space<hbm>>
    %dma_wait3A_211 = arith.constant 112 : i32
    %dma_wait3A_212 = arith.constant 0 : i32
    %dma_wait3A_213 = tpu.memref_slice %arg3[%add3A, %dma_wait3A_206, %dma_wait3A_211, %dma_wait3A_212] : memref<32x3x224x224xf32, #tpu.memory_space<hbm>> -> memref<1x1x112x224xf32, #tpu.memory_space<hbm>>
    %dma_wait3A_214 = tpu.memref_squeeze %dma_wait3A_213 : memref<1x1x112x224xf32, #tpu.memory_space<hbm>> -> memref<112x224xf32, #tpu.memory_space<hbm>>
    tpu.wait_dma2 semaphore(%arg15 : memref<!tpu.dma_semaphore, #tpu.memory_space<semaphore_mem>>) src(%arg7 : memref<112x224xf32, #tpu.memory_space<vmem>>) dst(%dma_wait3A_214 : memref<112x224xf32, #tpu.memory_space<hbm>>)
    %dma_wait3A_215 = arith.constant 2 : i32
    %dma_wait3A_216 = arith.constant 0 : i32
    %dma_wait3A_217 = arith.constant 0 : i32
    %dma_wait3A_218 = tpu.memref_slice %arg3[%add3A, %dma_wait3A_215, %dma_wait3A_216, %dma_wait3A_217] : memref<32x3x224x224xf32, #tpu.memory_space<hbm>> -> memref<1x1x112x224xf32, #tpu.memory_space<hbm>>
    %dma_wait3A_219 = tpu.memref_squeeze %dma_wait3A_218 : memref<1x1x112x224xf32, #tpu.memory_space<hbm>> -> memref<112x224xf32, #tpu.memory_space<hbm>>
    %dma_wait3A_220 = arith.constant 0 : i32
    %dma_wait3A_221 = arith.constant 0 : i32
    %dma_wait3A_222 = tpu.memref_slice %arg3[%add3A, %dma_wait3A_215, %dma_wait3A_220, %dma_wait3A_221] : memref<32x3x224x224xf32, #tpu.memory_space<hbm>> -> memref<1x1x112x224xf32, #tpu.memory_space<hbm>>
    %dma_wait3A_223 = tpu.memref_squeeze %dma_wait3A_222 : memref<1x1x112x224xf32, #tpu.memory_space<hbm>> -> memref<112x224xf32, #tpu.memory_space<hbm>>
    tpu.wait_dma2 semaphore(%arg12 : memref<!tpu.dma_semaphore, #tpu.memory_space<semaphore_mem>>) src(%arg4 : memref<112x224xf32, #tpu.memory_space<vmem>>) dst(%dma_wait3A_223 : memref<112x224xf32, #tpu.memory_space<hbm>>)
    %dma_wait3A_224 = arith.constant 2 : i32
    %dma_wait3A_225 = arith.constant 112 : i32
    %dma_wait3A_226 = arith.constant 0 : i32
    %dma_wait3A_227 = tpu.memref_slice %arg3[%add3A, %dma_wait3A_224, %dma_wait3A_225, %dma_wait3A_226] : memref<32x3x224x224xf32, #tpu.memory_space<hbm>> -> memref<1x1x112x224xf32, #tpu.memory_space<hbm>>
    %dma_wait3A_228 = tpu.memref_squeeze %dma_wait3A_227 : memref<1x1x112x224xf32, #tpu.memory_space<hbm>> -> memref<112x224xf32, #tpu.memory_space<hbm>>
    %dma_wait3A_229 = arith.constant 112 : i32
    %dma_wait3A_230 = arith.constant 0 : i32
    %dma_wait3A_231 = tpu.memref_slice %arg3[%add3A, %dma_wait3A_224, %dma_wait3A_229, %dma_wait3A_230] : memref<32x3x224x224xf32, #tpu.memory_space<hbm>> -> memref<1x1x112x224xf32, #tpu.memory_space<hbm>>
    %dma_wait3A_232 = tpu.memref_squeeze %dma_wait3A_231 : memref<1x1x112x224xf32, #tpu.memory_space<hbm>> -> memref<112x224xf32, #tpu.memory_space<hbm>>
    tpu.wait_dma2 semaphore(%arg13 : memref<!tpu.dma_semaphore, #tpu.memory_space<semaphore_mem>>) src(%arg5 : memref<112x224xf32, #tpu.memory_space<vmem>>) dst(%dma_wait3A_232 : memref<112x224xf32, #tpu.memory_space<hbm>>)
    return
  }
}

</mosaic_0001>

<sc_bundles>
// kernel: kernel.3.cloned.1.call-start
scs
__scs_entry_jumppad:
0x0: {  	(pc) =	sbr.rel $0x88, $3  }
0x1: {  	(tag) =	ssettag $0x0;
	lr =	simm.s32 $0x1  }
0x2: {  	[smem:$0x3FA0] =	sst lr;
	_ =	strace $0xD0000000  }
0x3: {  	_ = 	snop  }
0x4: {  	_ = 	snop  }
0x5: {  	_ = 	snop  }
0x6: {  	_ = 	snop  }
0x7: {  	_ = 	snop  }
__scs_overlays_trampoline_lowered:
0x8: {  	[smem:$0x3FAF] =	sst s0  }
0x9: {  	[smem:$0x3FB0] =	sst s1  }
0xa: {  	[smem:$0x3FB1] =	sst s2  }
0xb: {  	[smem:$0x3FB2] =	sst s3  }
0xc: {  	[smem:$0x3FB3] =	sst s4  }
0xd: {  	[smem:$0x3FB4] =	sst s5  }
0xe: {  	[smem:$0x3FB5] =	sst s6  }
0xf: {  	[smem:$0x3FB6] =	sst s7  }
0x10: {  	[smem:$0x3FB7] =	sst s8  }
0x11: {  	[smem:$0x3FB8] =	sst s9;
	s0 =	simm.s32 @!p0 $0x0  }
0x12: {  	s1 =	sld [smem:$0x3F9E];
	s0 =	simm.s32 @p0 $0x1  }
0x13: {  	[smem:$0x3FB9] =	sst s0;
	s0 =	simm.s32 @!p1 $0x0  }
0x14: {  	s2 =	sld [smem:$0x3F9D];
	s0 =	simm.s32 @p1 $0x1  }
0x15: {  	[smem:$0x3FBA] =	sst s0;
	s0 =	simm.s32 @!p2 $0x0  }
0x16: {  	s3 =	sld [smem:$0x3FDB];
	s0 =	simm.s32 @p2 $0x1  }
0x17: {  	s4 =	simm.s32 $0x1BF5;
	[smem:$0x3FBC] =	sst s0  }
0x18: {  	s0 =	sld [smem:$0x3F9F];
	_ =	swait.ge [sflag:s4], $0x0  }
0x19: {  	s7 =	sld [smem:$0x3FA0]  }
0x1a: {  	s8 =	sadd.s32 $0xFFFFE003, lr  }
0x1b: {  	s9 =	sadd.s32 $0xFFFFFEF7, lr;
	s5 =	simm.s32 $0xFFFFFFFF;
	p2 =	slt.u32 s8, $0xFFFFF086  }
0x1c: {  	p1 =	slt.u32 s9, $0xF7A;
	s5 =	simm.s32 @!p2 $0x0  }
0x1d: {  	s5 =	simm.s32 @p1 $0x1;
	p0 =	seq.s32 s7, s2  }
0x1e: {  	s7 =	smul.u32 @!p0 $0xF7A, s2;
	p2 =	seq.s32 @!p0 s5, $0x0  }
0x1f: {  	s9 =	smul.u32 $0xF7A, s1;
	s8 =	simm.s32 @!p0 $0x1BF5;
	p2 =	por !p2, p0  }
0x20: {  	[sflag:s8] =	ssyncset.s32 @!p0 $0xFFFFF086;
	s6 =	sadd.s32 @!p0 s3, s7;
	s7 =	simm.s32 @!p0 $0x108  }
0x21: {  	s3 =	sadd.s32 s3, s9;
	s6 =	sadd.s32 @!p0 $0x88, s6;
	s7 =	simm.s32 @p2 $0x1082  }
0x22: {  	[simem:s7], [sflag:s8] =	dma.local @!p0 [hbm:s6], $0xF7A  }
0x23: {  	s9 =	sor.u32 $0xD0000000, s2;
	s6 =	simm.s32 $0x108;
	_ =	swait.ge @!p0 [sflag:s8], $0x0  }
0x24: {  	s3 =	sadd.s32 $0x88, s3;
	s6 =	simm.s32 @!p1 $0x1082;
	[sflag:s4] =	ssyncset.s32 $0xFFFFF086  }
0x25: {  	[simem:s6], [sflag:s4] =	dma.local [hbm:s3], $0xF7A  }
0x26: {  	[smem:$0x3FA0] =	sst s1;
	(tag) =	ssettag s2;
	_ =	strace s9  }
0x27: {  	s1 =	sld [smem:$0x3FB0]  }
0x28: {  	s2 =	sld [smem:$0x3FB1]  }
0x29: {  	s4 =	sld [smem:$0x3FB3]  }
0x2a: {  	p0 =	seq.s32 s5, $0x0;
	s5 =	sld [smem:$0x3FB4]  }
0x2b: {  	s6 =	sld [smem:$0x3FB5]  }
0x2c: {  	s7 =	sld [smem:$0x3FB6]  }
0x2d: {  	s3 =	simm.s32 $0x108;
	s8 =	sld [smem:$0x3FB7]  }
0x2e: {  	s3 =	simm.s32 @!p0 $0x1082;
	s9 =	sld [smem:$0x3FB8]  }
0x2f: {  	lr =	sadd.s32 s0, s3;
	s0 =	sld [smem:$0x3FAF]  }
0x30: {  	s3 =	sld [smem:$0x3FB2]  }
0x31: {  	[smem:$0x3FBB] =	sst s10  }
0x32: {  	s10 =	sld [smem:$0x3FB9];
	_ =	sdelay $0x3  }
0x33: {  	p0 =	seq.s32 s10, $0x1;
	s10 =	sld [smem:$0x3FBB];
	_ =	sdelay $0x3  }
0x34: {  	[smem:$0x3FBB] =	sst s10  }
0x35: {  	s10 =	sld [smem:$0x3FBA];
	_ =	sdelay $0x3  }
0x36: {  	p1 =	seq.s32 s10, $0x1;
	s10 =	sld [smem:$0x3FBB];
	_ =	sdelay $0x3  }
0x37: {  	[smem:$0x3FBB] =	sst s10  }
0x38: {  	s10 =	sld [smem:$0x3FBC]  }
0x39: {  	_ = 	snop;
	(pc) =	sbr.ind lr, $3  }
0x3a: {  	_ = 	snop  }
0x3b: {  	_ = 	snop  }
0x3c: {  	p2 =	seq.s32 s10, $0x1;
	s10 =	sld [smem:$0x3FBB]  }
0x3d: {  	_ =	shalt  }
0x3e: {  	_ =	shalt  }
0x3f: {  	_ =	shalt  }
0x40: {  	_ =	shalt  }
0x41: {  	_ =	shalt  }
0x42: {  	_ =	shalt  }
0x43: {  	_ =	shalt  }
0x44: {  	_ =	shalt  }
0x45: {  	_ =	shalt  }
0x46: {  	_ =	shalt  }
0x47: {  	_ =	shalt  }
0x48: {  	_ =	shalt  }
0x49: {  	_ =	shalt  }
0x4a: {  	_ =	shalt  }
0x4b: {  	_ =	shalt  }
0x4c: {  	_ =	shalt  }
0x4d: {  	_ =	shalt  }
0x4e: {  	_ =	shalt  }
0x4f: {  	_ =	shalt  }
0x50: {  	_ =	shalt  }
0x51: {  	_ =	shalt  }
0x52: {  	_ =	shalt  }
0x53: {  	_ =	shalt  }
0x54: {  	_ =	shalt  }
0x55: {  	_ =	shalt  }
0x56: {  	_ =	shalt  }
0x57: {  	_ =	shalt  }
0x58: {  	_ =	shalt  }
0x59: {  	_ =	shalt  }
0x5a: {  	_ =	shalt  }
0x5b: {  	_ =	shalt  }
0x5c: {  	_ =	shalt  }
0x5d: {  	_ =	shalt  }
0x5e: {  	_ =	shalt  }
0x5f: {  	_ =	shalt  }
0x60: {  	_ =	shalt  }
0x61: {  	_ =	shalt  }
0x62: {  	_ =	shalt  }
0x63: {  	_ =	shalt  }
0x64: {  	_ =	shalt  }
0x65: {  	_ =	shalt  }
0x66: {  	_ =	shalt  }
0x67: {  	_ =	shalt  }
0x68: {  	_ =	shalt  }
0x69: {  	_ =	shalt  }
0x6a: {  	_ =	shalt  }
0x6b: {  	_ =	shalt  }
0x6c: {  	_ =	shalt  }
0x6d: {  	_ =	shalt  }
0x6e: {  	_ =	shalt  }
0x6f: {  	_ =	shalt  }
0x70: {  	_ =	shalt  }
0x71: {  	_ =	shalt  }
0x72: {  	_ =	shalt  }
0x73: {  	_ =	shalt  }
0x74: {  	_ =	shalt  }
0x75: {  	_ =	shalt  }
0x76: {  	_ =	shalt  }
0x77: {  	_ =	shalt  }
0x78: {  	_ =	shalt  }
0x79: {  	_ =	shalt  }
0x7a: {  	_ =	shalt  }
0x7b: {  	_ =	shalt  }
0x7c: {  	_ =	shalt  }
0x7d: {  	_ =	shalt  }
0x7e: {  	_ =	shalt  }
0x7f: {  	_ =	shalt  }
0x80: {  	_ =	shalt  }
0x81: {  	_ =	shalt  }
0x82: {  	_ =	shalt  }
0x83: {  	_ =	shalt  }
0x84: {  	_ =	shalt  }
0x85: {  	_ =	shalt  }
0x86: {  	_ =	shalt  }
0x87: {  	_ =	shalt  }
.Lfunc_end0:
.L_simem_size_0:
called_computation_lowered:
.L_overlay_start_0:
0x88: {  	s2 =	sld [smem:$0x3FD9]  }
0x89: {  	s3 =	sld [smem:$0x3FFE];
	_ =	sdelay $0x1  }
0x8a: {  	s1 =	srdreg.scid  }
0x8b: {  	s0 =	sand.u32 $0x1, s1  }
0x8c: {  	s18 =	sshll.u32 s0, $0xA;
	s2 =	sadd.s32 s3, s2  }
0x8d: {  	s2 =	sadd.s32 s2, s18  }
0x8e: {  	[smem:$0x3FC7] =	sst s2  }
0x8f: {  	_ = 	snop  }
0x90: {  	s2 =	sld [smem:$0x3FC9]  }
0x91: {  	s19 =	sld [smem:$0x3FD0];
	(tm) =	ssettm $0x1  }
0x92: {  	s4 =	sld [smem:$0x3FFB];
	_ =	sdelay $0x3  }
0x93: {  	_ =	strace s4  }
0x94: {  	s4 =	sld [smem:$0x3FFC];
	_ =	sdelay $0x3  }
0x95: {  	_ =	strace s4  }
0x96: {  	s4 =	sld [smem:$0x3FFD];
	_ =	sdelay $0x3  }
0x97: {  	_ =	strace s4  }
0x98: {  	_ =	strace $0x8FFFFFFF  }
0x99: {  	s20 =	sld [smem:$0x3FDB];
	_ =	sdelay $0x1  }
0x9a: {  	s5 =	simm.s32 $_scs_section_size  }
0x9b: {  	s6 =	simm.s32 $_size__tile_overlayer_lowered;
	s7 =	simm.s32 $_tile_overlayer_lowered  }
0x9c: {  	s23 =	simm.s32 $0x1BFF;
	s22 =	sshll.u32 s7, $0x1;
	s4 =	sadd.s32 s5, s20  }
0x9d: {  	s8 =	simm.s32 $0x0;
	s21 =	sshll.u32 s6, $0x1;
	s6 =	sadd.s32 s22, s4  }
0x9e: {  	[timem:s8], [sflag:s23] =	dma.local [hbm:s6], s21  }
0x9f: {  	_ =	swait.ge [sflag:s23], s21  }
0xa0: {  	s5 =	ssub.s32 $0x0, s21;
	[sflag:s23] =	ssyncset.done $0x0  }
0xa1: {  	[sflag:s23] =	ssyncadd.s32 s5;
	_ =	sdelay $0x1  }
0xa2: {  	s24 =	simm.s32 $0x1B8B  }
0xa3: {  	_ =	swait.ge [sflag:s24], $0x1  }
0xa4: {  	[sflag:s24] =	ssyncset.done $0x0  }
0xa5: {  	s25 =	simm.s32 $0x1B8E;
	[sflag:s24] =	ssyncadd.s32 $0xFFFFFFFF  }
0xa6: {  	s26 =	simm.s32 $execute0_lowered;
	[smem:$0x3FD2] =	sst s25  }
0xa7: {  	s5 =	sshll.u32 s26, $0x1;
	_ =	strace $0x80000046;
	[dreg:$0x1] =	wrdreg $0xFFFFFFFF  }
0xa8: {  	s28 =	simm.s32 $_size_execute0_lowered;
	s4 =	sadd.s32 s4, s5;
	[dreg:$0x0] =	wrdreg $0x0  }
0xa9: {  	s5 =	sshll.u32 s28, $0x1;
	[dreg:$0x2] =	wrdreg s4  }
0xaa: {  	[dreg:$0x3] =	wrdreg s5  }
0xab: {  	[dreg:$0x4] =	wrdreg $0xC0  }
0xac: {  	_ =	task [dreg:s8], $0x5FFFF  }
0xad: {  	[dreg:$0x1] =	wrdreg $0xFFFFFFFF  }
0xae: {  	[dreg:$0x0] =	wrdreg $0x60  }
0xaf: {  	[dreg:$0x2] =	wrdreg s2  }
0xb0: {  	[dreg:$0x3] =	wrdreg s19  }
0xb1: {  	[dreg:$0x4] =	wrdreg $0x9  }
0xb2: {  	_ =	task.clear_ibuf [dreg:s8], $0x5FFFF;
	_ =	strace $0x90000046  }
0xb3: {  	s29 =	simm.s32 $0x9;
	_ =	strace $0x80000048  }
0xb4: {  	_ =	swait.ge [sflag:s29], $0x1  }
0xb5: {  	[sflag:s29] =	ssyncadd.s32 $0xFFFFFFFF  }
0xb6: {  	_ =	strace $0x90000048  }
0xb7: {  	_ =	sfence  }
0xb8: {  	s30 =	sld [smem:$0x0];
	_ =	sdelay $0x2  }
0xb9: {  	s31 =	sshll.u32 s1, $0xD;
	s1 =	sshrl.u32 s1, $0x2  }
0xba: {  	s3 =	sand.u32 $0x4000, s31;
	s1 =	sadd.s32 s1, s30  }
0xbb: {  	s0 =	sor.u32 s3, s0;
	s1 =	sshll.u32 s1, $0x11  }
0xbc: {  	s0 =	sor.u32 s1, s0  }
0xbd: {  	s0 =	sadd.s32 $0x8F2B, s0  }
0xbe: {  	[sflag:s0] =	ssyncadd.remote.s32 $0x1  }
0xbf: {  	_ =	sfence.sel $0xFFFF  }
0xc0: {  	[dreg:$0x0] =	wrdreg $0xFFFFFFFF;
	(pc) =	sbr.abs _section_cstart, $3  }
0xc1: {  	[dreg:$0x1] =	wrdreg $0xFFFFFFFF  }
0xc2: {  	_ =	task.clear_ibuf [dreg:s8], $0x2FFFF;
	_ =	strace $0x9FFFFFFF  }
0xc3: {  	(tm) =	ssettm $0x7FFFFFFF  }
tec
execute0_lowered:
.L_overlay_start_1:
0x0: {  	(tag) =	ssettag $0x1  }
0x1: {  	s1 =	srdreg.scid;
	s0 =	stileid.u32  }
0x2: {  	s26 =	sand.u32 $0x1, s1;
	s31 =	sshll.u32 s0, $0x1  }
0x3: {  	s9 =	sor.u32 s26, s31  }
0x4: {  	s1 =	smul.u32 $0x4D29DB, s9;
	_ =	sdelay $0x1  }
0x5: {  	s1 =	sshrl.u32 s1, $0x13  }
0x6: {  	s3 =	rddreg [dreg:$0x0];
	s4 =	smul.u32 $0x2A000, s1  }
0x7: {  	s11 =	rddreg [dreg:$0x1];
	s2 =	simm.s32 $0x0  }
0x8: {  	[smem:$0x7FF] =	sst s2;
	s4 =	sshrl.u32 s4, $0x3  }
0x9: {  	s1 =	rddreg [dreg:$0x2];
	_ =	strace $0x80000047;
	s3 =	sadd.s32 s3, s4  }
0xa: {  	[tilespmem:s2], [sflag:$0x1] =	stream.linear.gather [hbm4b:s3+s2], $0x7000, $0x38;
	[tilespmem:$0x1C000] =	vst v63  }
0xb: {  	s5 =	simm.s32 $0x7000;
	s4 =	sadd.s32 $0xE00, s3  }
0xc: {  	[tilespmem:s5], [sflag:$0x2] =	stream.linear.gather [hbm4b:s4+s2], $0x7000, $0x38;
	[tilespmem:$0x1C000] =	vst v63  }
0xd: {  	s8 =	simm.s32 $0xE000;
	s10 =	simm.s32 $0x1;
	s6 =	sadd.s32 $0x1C00, s3  }
0xe: {  	[tilespmem:s8], [sflag:$0x3] =	stream.linear.gather [hbm4b:s6+s2], $0x7000, $0x38;
	[tilespmem:$0x1C000] =	vst v63  }
0xf: {  	s12 =	smul.u32 $0x2A000, s9;
	s9 =	simm.s32 $0x15000;
	s7 =	sadd.s32 $0x2A00, s3  }
0x10: {  	[tilespmem:s9], [sflag:$0x4] =	stream.linear.gather [hbm4b:s7+s2], $0x7000, $0x38;
	[tilespmem:$0x1C000] =	vst v63  }
0x11: {  	_ =	swait.ge [sflag:s10], $0x7000  }
0x12: {  	s12 =	sshrl.u32 s12, $0x3;
	[sflag:s10] =	ssyncset.done $0x0  }
0x13: {  	s11 =	sadd.s32 s11, s12;
	s12 =	simm.s32 $0x5;
	[sflag:s10] =	ssyncadd.s32 $0xFFFF9000  }
0x14: {  	[hbm4b:s11+s2] =	stream.linear.scatter [tilespmem:s2], [sflag:$0x5], $0x7000, $0x38;
	[tilespmem:$0x1C000] =	vst v63  }
0x15: {  	_ =	swait.ge [sflag:s12], $0x7000  }
0x16: {  	[sflag:s12] =	ssyncset.done $0x0  }
0x17: {  	s14 =	simm.s32 $0x2;
	s13 =	sadd.s32 $0x3800, s3;
	[sflag:s12] =	ssyncadd.s32 $0xFFFF9000  }
0x18: {  	[tilespmem:s2], [sflag:$0x1] =	stream.linear.gather [hbm4b:s13+s2], $0x7000, $0x38;
	[tilespmem:$0x1C000] =	vst v63  }
0x19: {  	_ =	swait.ge [sflag:s14], $0x7000  }
0x1a: {  	[sflag:s14] =	ssyncset.done $0x0  }
0x1b: {  	s15 =	simm.s32 $0x6;
	s16 =	sadd.s32 $0xE00, s11;
	[sflag:s14] =	ssyncadd.s32 $0xFFFF9000  }
0x1c: {  	[hbm4b:s16+s2] =	stream.linear.scatter [tilespmem:s5], [sflag:$0x6], $0x7000, $0x38;
	[tilespmem:$0x1C000] =	vst v63  }
0x1d: {  	_ =	swait.ge [sflag:s15], $0x7000  }
0x1e: {  	[sflag:s15] =	ssyncset.done $0x0  }
0x1f: {  	s18 =	simm.s32 $0x3;
	s17 =	sadd.s32 $0x4600, s3;
	[sflag:s15] =	ssyncadd.s32 $0xFFFF9000  }
0x20: {  	[tilespmem:s5], [sflag:$0x2] =	stream.linear.gather [hbm4b:s17+s2], $0x7000, $0x38;
	[tilespmem:$0x1C000] =	vst v63  }
0x21: {  	_ =	swait.ge [sflag:s18], $0x7000  }
0x22: {  	[sflag:s18] =	ssyncset.done $0x0  }
0x23: {  	s20 =	simm.s32 $0x4;
	s19 =	sadd.s32 $0x1C00, s11;
	[sflag:s18] =	ssyncadd.s32 $0xFFFF9000  }
0x24: {  	[hbm4b:s19+s2] =	stream.linear.scatter [tilespmem:s8], [sflag:$0x7], $0x7000, $0x38;
	[tilespmem:$0x1C000] =	vst v63  }
0x25: {  	_ =	swait.ge [sflag:s20], $0x7000  }
0x26: {  	[sflag:s20] =	ssyncset.done $0x0  }
0x27: {  	s21 =	sadd.s32 $0x2A00, s11;
	[sflag:s20] =	ssyncadd.s32 $0xFFFF9000  }
0x28: {  	[hbm4b:s21+s2] =	stream.linear.scatter [tilespmem:s9], [sflag:$0x8], $0x7000, $0x38;
	[tilespmem:$0x1C000] =	vst v63  }
0x29: {  	_ =	swait.ge [sflag:s10], $0x7000  }
0x2a: {  	[sflag:s10] =	ssyncset.done $0x0  }
0x2b: {  	s22 =	sadd.s32 $0x3800, s11;
	[sflag:s10] =	ssyncadd.s32 $0xFFFF9000  }
0x2c: {  	[hbm4b:s22+s2] =	stream.linear.scatter [tilespmem:s2], [sflag:$0x5], $0x7000, $0x38;
	[tilespmem:$0x1C000] =	vst v63  }
0x2d: {  	_ =	swait.ge [sflag:s14], $0x7000  }
0x2e: {  	[sflag:s14] =	ssyncset.done $0x0  }
0x2f: {  	s24 =	simm.s32 $0x7;
	s23 =	sadd.s32 $0x4600, s11;
	[sflag:s14] =	ssyncadd.s32 $0xFFFF9000  }
0x30: {  	[hbm4b:s23+s2] =	stream.linear.scatter [tilespmem:s5], [sflag:$0x6], $0x7000, $0x38;
	[tilespmem:$0x1C000] =	vst v63  }
0x31: {  	_ =	swait.ge [sflag:s24], $0x7000  }
0x32: {  	s26 =	ssub.s32 $0x2, s26;
	[sflag:s24] =	ssyncset.done $0x0  }
0x33: {  	s25 =	simm.s32 $0x8;
	s28 =	sshrl.u32 s26, $0x1;
	[sflag:s24] =	ssyncadd.s32 $0xFFFF9000  }
0x34: {  	s26 =	ssub.s32 s26, s28;
	_ =	swait.ge [sflag:s25], $0x7000  }
0x35: {  	s26 =	smax.u32 s26, $0x1;
	[sflag:s25] =	ssyncset.done $0x0  }
0x36: {  	p0 =	sne.s32 s26, $0x1;
	[sflag:s25] =	ssyncadd.s32 $0xFFFF9000  }
.Ltmp0:
0x37: {  	_ =	swait.ge [sflag:s12], $0x7000;
	(pc) =	sbr.rel @!p0 .LBB2_2-.Ltmp0, $4  }
0x38: {  	[sflag:s12] =	ssyncset.done $0x0  }
0x39: {  	[sflag:s12] =	ssyncadd.s32 $0xFFFF9000  }
0x3a: {  	_ =	swait.ge [sflag:s15], $0x7000  }
0x3b: {  	s26 =	sadd.s32 $0xFFFFFFFF, s26;
	[sflag:s15] =	ssyncset.done $0x0  }
.LBB2_1:
0x3c: {  	p0 =	sne.s32 s26, $0x1;
	s26 =	sadd.s32 $0xFFFFFFFF, s26;
	[sflag:s15] =	ssyncadd.s32 $0xFFFF9000  }
0x3d: {  	[tilespmem:s2], [sflag:$0x1] =	stream.linear.gather [hbm4b:s3+s2], $0x7000, $0x38;
	[tilespmem:$0x1C000] =	vst v63  }
0x3e: {  	_ = 	snop  }
0x3f: {  	[tilespmem:s5], [sflag:$0x2] =	stream.linear.gather [hbm4b:s4+s2], $0x7000, $0x38;
	[tilespmem:$0x1C000] =	vst v63  }
0x40: {  	_ = 	snop  }
0x41: {  	[tilespmem:s8], [sflag:$0x3] =	stream.linear.gather [hbm4b:s6+s2], $0x7000, $0x38;
	[tilespmem:$0x1C000] =	vst v63  }
0x42: {  	_ = 	snop  }
0x43: {  	[tilespmem:s9], [sflag:$0x4] =	stream.linear.gather [hbm4b:s7+s2], $0x7000, $0x38;
	[tilespmem:$0x1C000] =	vst v63  }
0x44: {  	_ =	swait.ge [sflag:s10], $0x7000  }
0x45: {  	[sflag:s10] =	ssyncset.done $0x0  }
0x46: {  	[sflag:s10] =	ssyncadd.s32 $0xFFFF9000  }
0x47: {  	[hbm4b:s11+s2] =	stream.linear.scatter [tilespmem:s2], [sflag:$0x5], $0x7000, $0x38;
	[tilespmem:$0x1C000] =	vst v63  }
0x48: {  	_ =	swait.ge [sflag:s12], $0x7000  }
0x49: {  	[sflag:s12] =	ssyncset.done $0x0  }
0x4a: {  	[sflag:s12] =	ssyncadd.s32 $0xFFFF9000  }
0x4b: {  	[tilespmem:s2], [sflag:$0x1] =	stream.linear.gather [hbm4b:s13+s2], $0x7000, $0x38;
	[tilespmem:$0x1C000] =	vst v63  }
0x4c: {  	_ =	swait.ge [sflag:s14], $0x7000  }
0x4d: {  	[sflag:s14] =	ssyncset.done $0x0  }
0x4e: {  	[sflag:s14] =	ssyncadd.s32 $0xFFFF9000  }
0x4f: {  	[hbm4b:s16+s2] =	stream.linear.scatter [tilespmem:s5], [sflag:$0x6], $0x7000, $0x38;
	[tilespmem:$0x1C000] =	vst v63  }
0x50: {  	_ =	swait.ge [sflag:s15], $0x7000  }
0x51: {  	[sflag:s15] =	ssyncset.done $0x0  }
0x52: {  	[sflag:s15] =	ssyncadd.s32 $0xFFFF9000  }
0x53: {  	[tilespmem:s5], [sflag:$0x2] =	stream.linear.gather [hbm4b:s17+s2], $0x7000, $0x38;
	[tilespmem:$0x1C000] =	vst v63  }
0x54: {  	_ =	swait.ge [sflag:s18], $0x7000  }
0x55: {  	[sflag:s18] =	ssyncset.done $0x0  }
0x56: {  	[sflag:s18] =	ssyncadd.s32 $0xFFFF9000  }
0x57: {  	[hbm4b:s19+s2] =	stream.linear.scatter [tilespmem:s8], [sflag:$0x7], $0x7000, $0x38;
	[tilespmem:$0x1C000] =	vst v63  }
0x58: {  	_ =	swait.ge [sflag:s20], $0x7000  }
0x59: {  	[sflag:s20] =	ssyncset.done $0x0  }
0x5a: {  	[sflag:s20] =	ssyncadd.s32 $0xFFFF9000  }
0x5b: {  	[hbm4b:s21+s2] =	stream.linear.scatter [tilespmem:s9], [sflag:$0x8], $0x7000, $0x38;
	[tilespmem:$0x1C000] =	vst v63  }
0x5c: {  	_ =	swait.ge [sflag:s10], $0x7000  }
0x5d: {  	[sflag:s10] =	ssyncset.done $0x0  }
0x5e: {  	[sflag:s10] =	ssyncadd.s32 $0xFFFF9000  }
0x5f: {  	[hbm4b:s22+s2] =	stream.linear.scatter [tilespmem:s2], [sflag:$0x5], $0x7000, $0x38;
	[tilespmem:$0x1C000] =	vst v63  }
0x60: {  	_ =	swait.ge [sflag:s14], $0x7000  }
0x61: {  	[sflag:s14] =	ssyncset.done $0x0  }
0x62: {  	[sflag:s14] =	ssyncadd.s32 $0xFFFF9000  }
0x63: {  	[hbm4b:s23+s2] =	stream.linear.scatter [tilespmem:s5], [sflag:$0x6], $0x7000, $0x38;
	[tilespmem:$0x1C000] =	vst v63  }
0x64: {  	_ =	swait.ge [sflag:s24], $0x7000  }
0x65: {  	[sflag:s24] =	ssyncset.done $0x0  }
0x66: {  	[sflag:s24] =	ssyncadd.s32 $0xFFFF9000  }
0x67: {  	_ =	swait.ge [sflag:s25], $0x7000  }
0x68: {  	[sflag:s25] =	ssyncset.done $0x0  }
0x69: {  	[sflag:s25] =	ssyncadd.s32 $0xFFFF9000  }
.Ltmp1:
0x6a: {  	_ =	swait.ge [sflag:s12], $0x7000;
	(pc) =	sbr.rel @p0 .LBB2_1-.Ltmp1, $4  }
0x6b: {  	[sflag:s12] =	ssyncset.done $0x0  }
0x6c: {  	[sflag:s12] =	ssyncadd.s32 $0xFFFF9000  }
0x6d: {  	_ =	swait.ge [sflag:s15], $0x7000  }
0x6e: {  	[sflag:s15] =	ssyncset.done $0x0  }
.LBB2_2:
0x6f: {  	[sflag:s15] =	ssyncadd.s32 $0xFFFF9000  }
0x70: {  	_ =	sfence.sel $0x180000  }
0x71: {  	[bflag:$0x0] =	sbarrier.arrive $0xFFFF  }
0x72: {  	p0 =	sne.s32 s0, $0x0;
	_ =	strace $0x90000047  }
0x73: {  	s0 =	sadd.s32 @!p0 $0x100000, s1;
	[bflag:$0x2] =	sbarrier.arrive $0xFFFF  }
0x74: {  	[sflag:s0] =	ssyncadd.tile.s32 @!p0 $0x1;
	_ =	shalt  }
.Lfunc_end2:
_tile_overlayer_lowered:
.L_overlay_start_2:
0x75: {  	(tag) =	ssettag $0x2  }
0x76: {  	s0 =	rddreg [dreg:$0x0];
	s2 =	stileid.u32  }
0x77: {  	s1 =	rddreg [dreg:$0x1];
	p0 =	sne.s32 s2, $0x0  }
0x78: {  	s3 =	rddreg [dreg:$0x2];
	[bflag:$0x3] =	sbarrier.arrive $0xFFFF;
	s2 =	simm.s32 @!p0 $0x1C09  }
0x79: {  	[timem:s3], [sflag:s2] =	dma.local @!p0 [hbm:s0], s1  }
0x7a: {  	s0 =	simm.s32 @!p0 $0x9  }
0x7b: {  	_ =	swait.ge @!p0 [sflag:s0], s1  }
0x7c: {  	s1 =	ssub.s32 @!p0 $0x0, s1;
	[sflag:s0] =	ssyncset.done @!p0 $0x0  }
0x7d: {  	[sflag:s0] =	ssyncadd.s32 @!p0 s1  }
0x7e: {  	[bflag:$0x3] =	sbarrier.arrive $0xFFFF  }
0x7f: {  	_ =	shalt  }

</sc_bundles>
